<compile_context>
chip_gen: v7x
topology: tpu7x:2x2x1
jax: 0.10.2.dev20260603
libtpu: 0.0.44.dev20260713+nightly
codegen_flags: <defaults>
</compile_context>

<pallas_src>
import numpy as np

import jax
import jax.numpy as jnp
from jax.experimental import pallas as pl
from jax.experimental.pallas import tpu as pltpu
from jax.experimental.pallas import tpu_sc as plsc

_F = 2000
_E = 3 * _F
_EPAD = 6144
_B = 1024
_NB = _EPAD // _B
_DIST2 = (1.0 + 1e-6) ** 2
_CROSS2 = (1e-5 - 1e-8) ** 2
_FPAD = 2048

_TRI = [(i, j) for i in range(_NB) for j in range(i, _NB)]
_NT = len(_TRI)
_TRI_I = np.array([ij[0] for ij in _TRI], dtype=np.int32)
_TRI_J = np.array([ij[1] for ij in _TRI], dtype=np.int32)


_NW = 32
_BPW = (2 * _EPAD) // _NW


def _sc_gather_kernel(table_hbm, idx_hbm, out_hbm, idx_v, rows_v, sem):
    wid = jax.lax.axis_index("s") * 2 + jax.lax.axis_index("c")
    base = wid * _BPW
    pltpu.sync_copy(idx_hbm.at[pl.ds(base, _BPW)], idx_v)
    pltpu.async_copy(table_hbm.at[idx_v], rows_v, sem).wait()
    pltpu.sync_copy(rows_v, out_hbm.at[pl.ds(base, _BPW)])


def _pair_kernel(im_ref, jm_ref, rdat_ref, cdat_ref, row_ref, col_ref):
    t = pl.program_id(0)
    iv = im_ref[t]
    jv = jm_ref[t]
    r = rdat_ref[...]
    c = cdat_ref[...]
    sp = jnp.dot(r[:, 0:5], c[0:5, :], preferred_element_type=jnp.float32)
    gd = jnp.dot(r[:, 5:8], c[5:8, :], preferred_element_type=jnp.float32)
    nbr = r[:, 8:9].astype(jnp.float32)
    nbc = c[8:9, :].astype(jnp.float32)
    q = (gd * gd + _CROSS2) - nbr * nbc
    m = (jnp.maximum(sp, q) < 0.0).astype(jnp.float32)
    rowpart = jnp.sum(m, axis=1, keepdims=True)

    @pl.when(t == 0)
    def _zero_cols():
        col_ref[...] = jnp.zeros_like(col_ref)

    @pl.when(iv == jv)
    def _diag():
        row_ref[...] = rowpart

    @pl.when(jv > iv)
    def _upper():
        row_ref[...] += rowpart
        col_ref[:, pl.ds(jv * _B, _B)] += jnp.sum(m, axis=0, keepdims=True)


def _loss_kernel(n0_ref, n1_ref, n2_ref, fp_ref, out_ref):
    cc = n0_ref[...] + n1_ref[...] + n2_ref[...]
    cc = jnp.clip(cc, 0.0, 100.0)
    out_ref[...] = (jnp.sum(cc * fp_ref[...]) / _F)[None, None]


def kernel(vertices, faces, face_probs):
    f0 = faces[:, 0]
    f1 = faces[:, 1]
    f2 = faces[:, 2]
    starts = jnp.concatenate([f0, f1, f2])
    ends = jnp.concatenate([f1, f2, f0])

    vpad = jnp.pad(vertices, ((0, 0), (0, 125)))
    idx_all = jnp.concatenate([
        jnp.pad(starts, (0, _EPAD - _E)),
        jnp.pad(ends, (0, _EPAD - _E))])
    mesh = plsc.VectorSubcoreMesh(core_axis_name="c", subcore_axis_name="s")
    gathered = pl.kernel(
        _sc_gather_kernel,
        mesh=mesh,
        out_type=jax.ShapeDtypeStruct((2 * _EPAD, 128), jnp.float32),
        scratch_types=[
            pltpu.VMEM((_BPW,), jnp.int32),
            pltpu.VMEM((_BPW, 128), jnp.float32),
            pltpu.SemaphoreType.DMA,
        ],
    )(vpad, idx_all)
    p0 = gathered[:_E, 0:3]
    p1 = gathered[_EPAD:_EPAD + _E, 0:3]
    cen = (p0 + p1) * 0.5
    d = (p1 - p0) + 1e-8
    nc = jnp.sum(cen * cen, axis=1, keepdims=True)
    nd = jnp.sum(d * d, axis=1, keepdims=True)
    one = jnp.ones_like(nc)
    rdat = jnp.concatenate([cen, nc, one, d, nd, one], axis=1)
    rdat = jnp.pad(rdat, ((0, _EPAD - _E), (0, 0)))
    cdat = jnp.concatenate(
        [-2.0 * cen, one, nc - _DIST2, d, nd, -_CROSS2 * one], axis=1)
    cdat = jnp.pad(cdat, ((0, _EPAD - _E), (0, 0)))
    cdat = cdat.at[_E:, 4].set(1e12)
    cdat = cdat.T
    rdat = rdat.astype(jnp.bfloat16)
    cdat = cdat.astype(jnp.bfloat16)

    nrow, ncol = pl.pallas_call(
        _pair_kernel,
        grid_spec=pltpu.PrefetchScalarGridSpec(
            num_scalar_prefetch=2,
            grid=(_NT,),
            in_specs=[
                pl.BlockSpec((_B, 10), lambda t, im, jm: (im[t], 0)),
                pl.BlockSpec((10, _B), lambda t, im, jm: (0, jm[t])),
            ],
            out_specs=[
                pl.BlockSpec((_B, 1), lambda t, im, jm: (im[t], 0)),
                pl.BlockSpec((1, _EPAD), lambda t, im, jm: (0, 0)),
            ],
        ),
        out_shape=[
            jax.ShapeDtypeStruct((_EPAD, 1), jnp.float32),
            jax.ShapeDtypeStruct((1, _EPAD), jnp.float32),
        ],
    )(jnp.asarray(_TRI_I), jnp.asarray(_TRI_J), rdat, cdat)

    n = nrow[:_E, 0] + ncol[0, :_E]
    n0 = jnp.pad(n[0::3], (0, _FPAD - _F))[None, :]
    n1 = jnp.pad(n[1::3], (0, _FPAD - _F))[None, :]
    n2 = jnp.pad(n[2::3], (0, _FPAD - _F))[None, :]
    fp = jnp.pad(face_probs, (0, _FPAD - _F))[None, :]

    loss = pl.pallas_call(
        _loss_kernel,
        out_shape=jax.ShapeDtypeStruct((1, 1), jnp.float32),
    )(n0, n1, n2, fp)
    return loss[0, 0]

# --- scband reference (transcript-rebuilt; emitter-appended) ---
"""Pipeline reference for scband-edge-crossing-loss-16166256902862 (READ-ONLY COPY).

The authoritative reference and input builder live on the scoring server;
editing this copy changes nothing except your own understanding.
"""

import jax, jax.numpy as jnp
import numpy as np

BATCH_SIZE = 1024
V = 2048
F = 2000


def setup_inputs(seed: int = 0) -> dict:
    key = jax.random.key(seed)
    k1, k2, k3 = jax.random.split(key, 3)
    vertices = jax.random.normal(k1, (V, 3), dtype=jnp.float32)
    faces = jax.random.randint(k2, (F, 3), 0, V, dtype=jnp.int32)
    face_probs = jax.random.uniform(k3, (F,), dtype=jnp.float32)
    return {"vertices": vertices, "faces": faces, "face_probs": face_probs}


def _edge_crossing_loss(vertices, faces, face_probs, batch_size=BATCH_SIZE):
    nF = faces.shape[0]
    # edges in the same order as the torch code: [all edge1; all edge2; all edge3]
    edges1 = jnp.stack([faces[:, 0], faces[:, 1]], axis=1)
    edges2 = jnp.stack([faces[:, 1], faces[:, 2]], axis=1)
    edges3 = jnp.stack([faces[:, 2], faces[:, 0]], axis=1)
    edges = jnp.concatenate([edges1, edges2, edges3], axis=0)  # [3F, 2]
    # faithful to original (repeat_interleave, even though edges are cat-ordered)
    edge_to_face = jnp.repeat(jnp.arange(nF), 3)  # [3F]
    edge_points = vertices[edges]                 # [3F, 2, 3]
    edge_centroids = edge_points.mean(axis=1)     # [3F, 3]
    E = edge_centroids.shape[0]

    col_idx = jnp.arange(E)
    crossing_count = jnp.zeros(nF, dtype=jnp.float32)

    for i in range(0, E, batch_size):
        j_end = min(i + batch_size, E)
        bc = edge_centroids[i:j_end]  # [B, 3]
        # torch.cdist (euclidean)
        dists = jnp.linalg.norm(bc[:, None, :] - edge_centroids[None, :, :], axis=-1)  # [B, E]
        row_idx = jnp.arange(i, j_end)
        # pairs with dist < 1+1e-6 and e1_idx < e2_idx (dedup), computed densely
        pair_mask = (dists < 1.0 + 1e-6) & (row_idx[:, None] < col_idx[None, :])  # [B, E]

        e1_start = edge_points[i:j_end, 0][:, None, :]  # [B, 1, 3]
        e1_end = edge_points[i:j_end, 1][:, None, :]    # [B, 1, 3]
        e2_start = edge_points[:, 0][None, :, :]        # [1, E, 3]
        e2_end = edge_points[:, 1][None, :, :]          # [1, E, 3]

        v1 = e1_end - e1_start + 1e-8                   # [B, 1, 3]
        v2 = e2_end - e2_start + 1e-8                   # [1, E, 3]
        v3 = e2_start - e1_start + 1e-8                 # [B, E, 3]

        cross1 = jnp.cross(v1, v3)                      # [B, E, 3]
        cross2 = jnp.cross(v1, v2)                      # [B, E, 3]
        cross1_norm = jnp.linalg.norm(cross1, axis=-1) + 1e-8  # [B, E]
        cross2_norm = jnp.linalg.norm(cross2, axis=-1) + 1e-8  # [B, E]
        valid_pairs = cross2_norm > 1e-5
        t = jnp.where(valid_pairs, cross1_norm / cross2_norm, 0.0)
        t = jnp.clip(t, 0.0, 1.0)
        crossings = (t >= 0) & (t <= 1) & valid_pairs

        contrib = (pair_mask & crossings).astype(jnp.float32)  # [B, E]
        # scatter-add one count per crossing pair to both faces
        crossing_count = crossing_count.at[edge_to_face[i:j_end]].add(contrib.sum(axis=1))
        crossing_count = crossing_count.at[edge_to_face].add(contrib.sum(axis=0))

    crossing_count = jnp.clip(crossing_count, 0.0, 100.0)
    product = face_probs * crossing_count
    return product.mean()


def reference(vertices, faces, face_probs):
    return _edge_crossing_loss(vertices, faces, face_probs, BATCH_SIZE)

if __name__ == "__main__":
    import jax
    _d = setup_inputs()
    print(jax.jit(kernel)(*tuple(_d.values())))

</pallas_src>

<mosaic_0001>
#map = affine_map<(d0, d1) -> (0, 0)>
#map1 = affine_map<(d0, d1) -> (0)>
module attributes {stable_mosaic.version = 14 : i64} {
  func.func @_sc_gather_kernel(%arg0: i32, %arg1: i32, %arg2: memref<2048x128xf32, #tpu.memory_space<hbm>>, %arg3: memref<12288xi32, #tpu.memory_space<hbm>>, %arg4: memref<12288x128xf32, #tpu.memory_space<hbm>>, %arg5: memref<384xi32, #tpu.memory_space<vmem>>, %arg6: memref<384x128xf32, #tpu.memory_space<vmem>>, %arg7: memref<!tpu.dma_semaphore, #tpu.memory_space<semaphore_mem>>) attributes {dimension_semantics = [#tpu.dimension_semantics<core_parallel>, #tpu.dimension_semantics<subcore_parallel>], iteration_bounds = array<i64: 2, 16>, scalar_prefetch = 0 : i64, scratch_operands = 3 : i64, tpu.core_type = #tpu.core_type<sc_vector_subcore>, window_params = [{transform_indices = #map}, {transform_indices = #map1}, {transform_indices = #map}]} {
    %mul3A = arith.constant 2 : i32
    %mul3A_0 = arith.muli %arg1, %mul3A : i32
    %add3A = arith.addi %mul3A_0, %arg0 : i32
    %mul3A_1 = arith.constant 384 : i32
    %mul3A_2 = arith.muli %add3A, %mul3A_1 : i32
    "tpu.region"() ({
      %run_scoped3A = tpu.sem_alloc : memref<!tpu.dma_semaphore, #tpu.memory_space<semaphore_mem>>
      %dma_start3A_7 = tpu.memref_slice %arg3[%mul3A_2] : memref<12288xi32, #tpu.memory_space<hbm>> -> memref<384xi32, #tpu.memory_space<hbm>>
      %dma_start3A_8 = tpu.memref_slice %arg3[%mul3A_2] : memref<12288xi32, #tpu.memory_space<hbm>> -> memref<384xi32, #tpu.memory_space<hbm>>
      tpu.enqueue_dma source(%dma_start3A_8 : memref<384xi32, #tpu.memory_space<hbm>>) target(%arg5 : memref<384xi32, #tpu.memory_space<vmem>>) target_semaphore(%run_scoped3A : memref<!tpu.dma_semaphore, #tpu.memory_space<semaphore_mem>>)
      %dma_wait3A_9 = tpu.memref_slice %arg3[%mul3A_2] : memref<12288xi32, #tpu.memory_space<hbm>> -> memref<384xi32, #tpu.memory_space<hbm>>
      %dma_wait3A_10 = tpu.memref_slice %arg3[%mul3A_2] : memref<12288xi32, #tpu.memory_space<hbm>> -> memref<384xi32, #tpu.memory_space<hbm>>
      tpu.wait_dma2 semaphore(%run_scoped3A : memref<!tpu.dma_semaphore, #tpu.memory_space<semaphore_mem>>) src(%dma_wait3A_10 : memref<384xi32, #tpu.memory_space<hbm>>) dst(%arg5 : memref<384xi32, #tpu.memory_space<vmem>>)
      tpu.yield
    }) : () -> ()
    %dma_start3A = arith.constant 0 : i32
    %dma_start3A_3 = arith.constant 0 : i32
    %dma_start3A_4 = tpu.memref_slice %arg2[%dma_start3A, %dma_start3A_3] : memref<2048x128xf32, #tpu.memory_space<hbm>> -> memref<2048x128xf32, #tpu.memory_space<hbm>>
    tpu.enqueue_indirect_dma source(%dma_start3A_4 : memref<2048x128xf32, #tpu.memory_space<hbm>>) target(%arg6 : memref<384x128xf32, #tpu.memory_space<vmem>>) offsets(%arg5 : memref<384xi32, #tpu.memory_space<vmem>>) semaphore(%arg7 : memref<!tpu.dma_semaphore, #tpu.memory_space<semaphore_mem>>)
    %dma_wait3A = arith.constant 0 : i32
    %dma_wait3A_5 = arith.constant 0 : i32
    %dma_wait3A_6 = tpu.memref_slice %arg2[%dma_wait3A, %dma_wait3A_5] : memref<2048x128xf32, #tpu.memory_space<hbm>> -> memref<2048x128xf32, #tpu.memory_space<hbm>>
    tpu.wait_indirect_dma semaphore(%arg7 : memref<!tpu.dma_semaphore, #tpu.memory_space<semaphore_mem>>) src(%dma_wait3A_6 : memref<2048x128xf32, #tpu.memory_space<hbm>>) dst(%arg6 : memref<384x128xf32, #tpu.memory_space<vmem>>)
    "tpu.region"() ({
      %run_scoped3A = tpu.sem_alloc : memref<!tpu.dma_semaphore, #tpu.memory_space<semaphore_mem>>
      %dma_start3A_7 = arith.constant 0 : i32
      %dma_start3A_8 = tpu.memref_slice %arg4[%mul3A_2, %dma_start3A_7] : memref<12288x128xf32, #tpu.memory_space<hbm>> -> memref<384x128xf32, #tpu.memory_space<hbm>>
      %dma_start3A_9 = arith.constant 0 : i32
      %dma_start3A_10 = tpu.memref_slice %arg4[%mul3A_2, %dma_start3A_9] : memref<12288x128xf32, #tpu.memory_space<hbm>> -> memref<384x128xf32, #tpu.memory_space<hbm>>
      tpu.enqueue_dma source(%arg6 : memref<384x128xf32, #tpu.memory_space<vmem>>) target(%dma_start3A_10 : memref<384x128xf32, #tpu.memory_space<hbm>>) target_semaphore(%run_scoped3A : memref<!tpu.dma_semaphore, #tpu.memory_space<semaphore_mem>>)
      %dma_wait3A_11 = arith.constant 0 : i32
      %dma_wait3A_12 = tpu.memref_slice %arg4[%mul3A_2, %dma_wait3A_11] : memref<12288x128xf32, #tpu.memory_space<hbm>> -> memref<384x128xf32, #tpu.memory_space<hbm>>
      %dma_wait3A_13 = arith.constant 0 : i32
      %dma_wait3A_14 = tpu.memref_slice %arg4[%mul3A_2, %dma_wait3A_13] : memref<12288x128xf32, #tpu.memory_space<hbm>> -> memref<384x128xf32, #tpu.memory_space<hbm>>
      tpu.wait_dma2 semaphore(%run_scoped3A : memref<!tpu.dma_semaphore, #tpu.memory_space<semaphore_mem>>) src(%arg6 : memref<384x128xf32, #tpu.memory_space<vmem>>) dst(%dma_wait3A_14 : memref<384x128xf32, #tpu.memory_space<hbm>>)
      tpu.yield
    }) : () -> ()
    return
  }
}

module attributes {stable_mosaic.version = 14 : i64} {
  func.func @_pair_kernel(%arg0: i32, %arg1: memref<21xi32, #tpu.memory_space<smem>>, %arg2: memref<21xi32, #tpu.memory_space<smem>>, %arg3: memref<1024x10xbf16, #tpu.memory_space<vmem>>, %arg4: memref<10x1024xbf16, #tpu.memory_space<vmem>>, %arg5: memref<1024x1xf32, #tpu.memory_space<vmem>>, %arg6: memref<1x6144xf32, #tpu.memory_space<vmem>>) attributes {dimension_semantics = [#tpu.dimension_semantics<arbitrary>], iteration_bounds = array<i64: 21>, scalar_prefetch = 2 : i64, scratch_operands = 0 : i64, tpu.core_type = #tpu.core_type<tc>, window_params = [{transform_indices = @transform_0, window_bounds = array<i64: 1024, 10>}, {transform_indices = @transform_1, window_bounds = array<i64: 10, 1024>}, {transform_indices = @transform_2, window_bounds = array<i64: 1024, 1>}, {pipeline_mode = #tpu.pipeline_mode<synchronous>, transform_indices = @transform_3, window_bounds = array<i64: 1, 6144>}]} {
    %get3A = arith.index_cast %arg0 : i32 to index
    %get3A_0 = memref.load %arg1[%get3A] : memref<21xi32, #tpu.memory_space<smem>>
    %get3A_1 = arith.index_cast %arg0 : i32 to index
    %get3A_2 = memref.load %arg2[%get3A_1] : memref<21xi32, #tpu.memory_space<smem>>
    %get3A_3 = arith.constant 0 : index
    %get3A_4 = arith.constant 0 : index
    %get3A_5 = vector.load %arg3[%get3A_3, %get3A_4] : memref<1024x10xbf16, #tpu.memory_space<vmem>>, vector<1024x10xbf16>
    %get3A_6 = arith.constant 0 : index
    %get3A_7 = arith.constant 0 : index
    %get3A_8 = vector.load %arg4[%get3A_6, %get3A_7] : memref<10x1024xbf16, #tpu.memory_space<vmem>>, vector<10x1024xbf16>
    %slice3A = vector.extract_strided_slice %get3A_5 {offsets = [0, 0], sizes = [1024, 5], strides = [1, 1]} : vector<1024x10xbf16> to vector<1024x5xbf16>
    %slice3A_9 = vector.extract_strided_slice %get3A_8 {offsets = [0, 0], sizes = [5, 1024], strides = [1, 1]} : vector<10x1024xbf16> to vector<5x1024xbf16>
    %dot_general3A = arith.constant dense<0.000000e+00> : vector<1024x1024xf32>
    %dot_general3A_10 = tpu.matmul %slice3A, %slice3A_9, %dot_general3A {dimension_numbers = #tpu.dot_dimension_numbers<[1], [0], [0], [1], [0, 0, 1, 1], [], []>, transpose_lhs_hint = false} : vector<1024x5xbf16>, vector<5x1024xbf16>, vector<1024x1024xf32> -> vector<1024x1024xf32>
    %slice3A_11 = vector.extract_strided_slice %get3A_5 {offsets = [0, 5], sizes = [1024, 3], strides = [1, 1]} : vector<1024x10xbf16> to vector<1024x3xbf16>
    %slice3A_12 = vector.extract_strided_slice %get3A_8 {offsets = [5, 0], sizes = [3, 1024], strides = [1, 1]} : vector<10x1024xbf16> to vector<3x1024xbf16>
    %dot_general3A_13 = arith.constant dense<0.000000e+00> : vector<1024x1024xf32>
    %dot_general3A_14 = tpu.matmul %slice3A_11, %slice3A_12, %dot_general3A_13 {dimension_numbers = #tpu.dot_dimension_numbers<[1], [0], [0], [1], [0, 0, 1, 1], [], []>, transpose_lhs_hint = false} : vector<1024x3xbf16>, vector<3x1024xbf16>, vector<1024x1024xf32> -> vector<1024x1024xf32>
    %slice3A_15 = vector.extract_strided_slice %get3A_5 {offsets = [0, 8], sizes = [1024, 1], strides = [1, 1]} : vector<1024x10xbf16> to vector<1024x1xbf16>
    %convert_element_type3A = arith.extf %slice3A_15 : vector<1024x1xbf16> to vector<1024x1xf32>
    %slice3A_16 = vector.extract_strided_slice %get3A_8 {offsets = [8, 0], sizes = [1, 1024], strides = [1, 1]} : vector<10x1024xbf16> to vector<1x1024xbf16>
    %convert_element_type3A_17 = arith.extf %slice3A_16 : vector<1x1024xbf16> to vector<1x1024xf32>
    %mul3A = arith.mulf %dot_general3A_14, %dot_general3A_14 : vector<1024x1024xf32>
    %add3A = arith.constant 9.98000987E-11 : f32
    %add3A_18 = vector.broadcast %add3A : f32 to vector<1024x1024xf32>
    %add3A_19 = arith.addf %mul3A, %add3A_18 : vector<1024x1024xf32>
    %mul3A_20 = vector.broadcast %convert_element_type3A : vector<1024x1xf32> to vector<1024x1024xf32>
    %mul3A_21 = vector.broadcast %convert_element_type3A_17 : vector<1x1024xf32> to vector<1024x1024xf32>
    %mul3A_22 = arith.mulf %mul3A_20, %mul3A_21 : vector<1024x1024xf32>
    %sub3A = arith.subf %add3A_19, %mul3A_22 : vector<1024x1024xf32>
    %max3A = arith.maximumf %dot_general3A_10, %sub3A : vector<1024x1024xf32>
    %lt3A = arith.constant 0.000000e+00 : f32
    %lt3A_23 = vector.broadcast %lt3A : f32 to vector<1024x1024xf32>
    %lt3A_24 = arith.cmpf olt, %max3A, %lt3A_23 : vector<1024x1024xf32>
    %convert_element_type3A_25 = arith.extui %lt3A_24 : vector<1024x1024xi1> to vector<1024x1024xi32>
    %convert_element_type3A_26 = arith.sitofp %convert_element_type3A_25 : vector<1024x1024xi32> to vector<1024x1024xf32>
    %reduce_sum3A = arith.constant dense<0.000000e+00> : vector<1024xf32>
    %reduce_sum3A_27 = vector.multi_reduction <add>, %convert_element_type3A_26, %reduce_sum3A [1] : vector<1024x1024xf32> to vector<1024xf32>
    %broadcast_in_dim3A = vector.shape_cast %reduce_sum3A_27 : vector<1024xf32> to vector<1024x1xf32>
    %eq3A = arith.constant 0 : i32
    %eq3A_28 = arith.cmpi eq, %arg0, %eq3A : i32
    %convert_element_type3A_29 = arith.extui %eq3A_28 : i1 to i32
    %cond3A = arith.constant 0 : i32
    %cond3A_30 = arith.cmpi ne, %convert_element_type3A_29, %cond3A : i32
    scf.if %cond3A_30 {
      %broadcast_in_dim3A_38 = arith.constant 0.000000e+00 : f32
      %broadcast_in_dim3A_39 = vector.broadcast %broadcast_in_dim3A_38 : f32 to vector<1x6144xf32>
      %swap3A = arith.constant 0 : index
      %swap3A_40 = arith.constant 0 : index
      %swap3A_41 = vector.load %arg6[%swap3A, %swap3A_40] : memref<1x6144xf32, #tpu.memory_space<vmem>>, vector<1x6144xf32>
      tpu.vector_store %arg6[%swap3A, %swap3A_40], %broadcast_in_dim3A_39 {strides = array<i32>} : memref<1x6144xf32, #tpu.memory_space<vmem>>, vector<1x6144xf32>,
    } else {
    }
    %eq3A_31 = arith.cmpi eq, %get3A_0, %get3A_2 : i32
    %convert_element_type3A_32 = arith.extui %eq3A_31 : i1 to i32
    %cond3A_33 = arith.constant 0 : i32
    %cond3A_34 = arith.cmpi ne, %convert_element_type3A_32, %cond3A_33 : i32
    scf.if %cond3A_34 {
      %swap3A = arith.constant 0 : index
      %swap3A_38 = arith.constant 0 : index
      %swap3A_39 = vector.load %arg5[%swap3A, %swap3A_38] : memref<1024x1xf32, #tpu.memory_space<vmem>>, vector<1024x1xf32>
      tpu.vector_store %arg5[%swap3A, %swap3A_38], %broadcast_in_dim3A {strides = array<i32>} : memref<1024x1xf32, #tpu.memory_space<vmem>>, vector<1024x1xf32>,
    } else {
    }
    %gt3A = arith.cmpi sgt, %get3A_2, %get3A_0 : i32
    %convert_element_type3A_35 = arith.extui %gt3A : i1 to i32
    %cond3A_36 = arith.constant 0 : i32
    %cond3A_37 = arith.cmpi ne, %convert_element_type3A_35, %cond3A_36 : i32
    scf.if %cond3A_37 {
      %get3A_38 = arith.constant 0 : index
      %get3A_39 = arith.constant 0 : index
      %get3A_40 = vector.load %arg5[%get3A_38, %get3A_39] : memref<1024x1xf32, #tpu.memory_space<vmem>>, vector<1024x1xf32>
      %add3A_41 = arith.addf %get3A_40, %broadcast_in_dim3A : vector<1024x1xf32>
      %swap3A = arith.constant 0 : index
      %swap3A_42 = arith.constant 0 : index
      %swap3A_43 = vector.load %arg5[%swap3A, %swap3A_42] : memref<1024x1xf32, #tpu.memory_space<vmem>>, vector<1024x1xf32>
      tpu.vector_store %arg5[%swap3A, %swap3A_42], %add3A_41 {strides = array<i32>} : memref<1024x1xf32, #tpu.memory_space<vmem>>, vector<1024x1xf32>,
      %mul3A_44 = arith.constant 1024 : i32
      %mul3A_45 = arith.muli %get3A_2, %mul3A_44 : i32
      %get3A_46 = arith.constant 0 : index
      %get3A_47 = arith.index_cast %mul3A_45 : i32 to index
      %get3A_48 = vector.load %arg6[%get3A_46, %get3A_47] : memref<1x6144xf32, #tpu.memory_space<vmem>>, vector<1x1024xf32>
      %reduce_sum3A_49 = arith.constant dense<0.000000e+00> : vector<1024xf32>
      %reduce_sum3A_50 = vector.multi_reduction <add>, %convert_element_type3A_26, %reduce_sum3A_49 [0] : vector<1024x1024xf32> to vector<1024xf32>
      %broadcast_in_dim3A_51 = vector.shape_cast %reduce_sum3A_50 : vector<1024xf32> to vector<1x1024xf32>
      %add3A_52 = arith.addf %get3A_48, %broadcast_in_dim3A_51 : vector<1x1024xf32>
      %swap3A_53 = arith.constant 0 : index
      %swap3A_54 = arith.index_cast %mul3A_45 : i32 to index
      %swap3A_55 = vector.load %arg6[%swap3A_53, %swap3A_54] : memref<1x6144xf32, #tpu.memory_space<vmem>>, vector<1x1024xf32>
      tpu.vector_store %arg6[%swap3A_53, %swap3A_54], %add3A_52 {strides = array<i32>} : memref<1x6144xf32, #tpu.memory_space<vmem>>, vector<1x1024xf32>,
    } else {
    }
    return
  }
  func.func @transform_0(%arg0: i32, %arg1: memref<21xi32, #tpu.memory_space<smem>>, %arg2: memref<21xi32, #tpu.memory_space<smem>>) -> (i32, i32) {
    %get3A = arith.index_cast %arg0 : i32 to index
    %get3A_0 = memref.load %arg1[%get3A] : memref<21xi32, #tpu.memory_space<smem>>
    %c0_i32 = arith.constant 0 : i32
    %c0_i32_1 = arith.constant 0 : i32
    return %get3A_0, %c0_i32 : i32, i32
  }
  func.func @transform_1(%arg0: i32, %arg1: memref<21xi32, #tpu.memory_space<smem>>, %arg2: memref<21xi32, #tpu.memory_space<smem>>) -> (i32, i32) {
    %get3A = arith.index_cast %arg0 : i32 to index
    %get3A_0 = memref.load %arg2[%get3A] : memref<21xi32, #tpu.memory_space<smem>>
    %c0_i32 = arith.constant 0 : i32
    %c0_i32_1 = arith.constant 0 : i32
    return %c0_i32, %get3A_0 : i32, i32
  }
  func.func @transform_2(%arg0: i32, %arg1: memref<21xi32, #tpu.memory_space<smem>>, %arg2: memref<21xi32, #tpu.memory_space<smem>>) -> (i32, i32) {
    %get3A = arith.index_cast %arg0 : i32 to index
    %get3A_0 = memref.load %arg1[%get3A] : memref<21xi32, #tpu.memory_space<smem>>
    %c0_i32 = arith.constant 0 : i32
    %c0_i32_1 = arith.constant 0 : i32
    return %get3A_0, %c0_i32 : i32, i32
  }
  func.func @transform_3(%arg0: i32, %arg1: memref<21xi32, #tpu.memory_space<smem>>, %arg2: memref<21xi32, #tpu.memory_space<smem>>) -> (i32, i32) {
    %c0_i32 = arith.constant 0 : i32
    %c0_i32_0 = arith.constant 0 : i32
    %c0_i32_1 = arith.constant 0 : i32
    return %c0_i32, %c0_i32_0 : i32, i32
  }
}

module attributes {stable_mosaic.version = 14 : i64} {
  func.func @_loss_kernel(%arg0: memref<1x2048xf32, #tpu.memory_space<vmem>>, %arg1: memref<1x2048xf32, #tpu.memory_space<vmem>>, %arg2: memref<1x2048xf32, #tpu.memory_space<vmem>>, %arg3: memref<1x2048xf32, #tpu.memory_space<vmem>>, %arg4: memref<1x1xf32, #tpu.memory_space<vmem>>) attributes {dimension_semantics = [], scalar_prefetch = 0 : i64, scratch_operands = 0 : i64, tpu.core_type = #tpu.core_type<tc>} {
    %get3A = arith.constant 0 : index
    %get3A_0 = arith.constant 0 : index
    %get3A_1 = vector.load %arg0[%get3A, %get3A_0] : memref<1x2048xf32, #tpu.memory_space<vmem>>, vector<1x2048xf32>
    %get3A_2 = arith.constant 0 : index
    %get3A_3 = arith.constant 0 : index
    %get3A_4 = vector.load %arg1[%get3A_2, %get3A_3] : memref<1x2048xf32, #tpu.memory_space<vmem>>, vector<1x2048xf32>
    %add3A = arith.addf %get3A_1, %get3A_4 : vector<1x2048xf32>
    %get3A_5 = arith.constant 0 : index
    %get3A_6 = arith.constant 0 : index
    %get3A_7 = vector.load %arg2[%get3A_5, %get3A_6] : memref<1x2048xf32, #tpu.memory_space<vmem>>, vector<1x2048xf32>
    %add3A_8 = arith.addf %add3A, %get3A_7 : vector<1x2048xf32>
    %jit3A = arith.constant 0.000000e+00 : f32
    %jit3A_9 = arith.constant 1.000000e+02 : f32
    %max3A = vector.broadcast %jit3A : f32 to vector<1x2048xf32>
    %max3A_10 = arith.maximumf %max3A, %add3A_8 : vector<1x2048xf32>
    %min3A = vector.broadcast %jit3A_9 : f32 to vector<1x2048xf32>
    %min3A_11 = arith.minimumf %min3A, %max3A_10 : vector<1x2048xf32>
    %get3A_12 = arith.constant 0 : index
    %get3A_13 = arith.constant 0 : index
    %get3A_14 = vector.load %arg3[%get3A_12, %get3A_13] : memref<1x2048xf32, #tpu.memory_space<vmem>>, vector<1x2048xf32>
    %mul3A = arith.mulf %min3A_11, %get3A_14 : vector<1x2048xf32>
    %reduce_sum3A = vector.shape_cast %mul3A : vector<1x2048xf32> to vector<1x1x2048xf32>
    %reduce_sum3A_15 = arith.constant dense<0.000000e+00> : vector<1xf32>
    %reduce_sum3A_16 = vector.multi_reduction <add>, %reduce_sum3A, %reduce_sum3A_15 [1, 2] : vector<1x1x2048xf32> to vector<1xf32>
    %reduce_sum3A_17 = vector.shape_cast %reduce_sum3A_16 : vector<1xf32> to vector<1x1x1xf32>
    %reduce_sum3A_18 = vector.extract %reduce_sum3A_17[0, 0, 0] : f32 from vector<1x1x1xf32>
    %div3A = arith.constant 2.000000e+03 : f32
    %div3A_19 = arith.divf %reduce_sum3A_18, %div3A : f32
    %broadcast_in_dim3A = vector.broadcast %div3A_19 : f32 to vector<1x1xf32>
    %swap3A = arith.constant 0 : index
    %swap3A_20 = arith.constant 0 : index
    %swap3A_21 = vector.load %arg4[%swap3A, %swap3A_20] : memref<1x1xf32, #tpu.memory_space<vmem>>, vector<1x1xf32>
    tpu.vector_store %arg4[%swap3A, %swap3A_20], %broadcast_in_dim3A {strides = array<i32>} : memref<1x1xf32, #tpu.memory_space<vmem>>, vector<1x1xf32>,
    return
  }
}

</mosaic_0001>

<sc_bundles>
// kernel: kernel.5.cloned.1.call-start
scs
__scs_entry_jumppad:
0x0: {  	(pc) =	sbr.rel $0x88, $3  }
0x1: {  	(tag) =	ssettag $0x0;
	lr =	simm.s32 $0x1  }
0x2: {  	[smem:$0x3F9E] =	sst lr;
	_ =	strace $0xD0000000  }
0x3: {  	_ = 	snop  }
0x4: {  	_ = 	snop  }
0x5: {  	_ = 	snop  }
0x6: {  	_ = 	snop  }
0x7: {  	_ = 	snop  }
__scs_overlays_trampoline_lowered:
0x8: {  	[smem:$0x3FAD] =	sst s0  }
0x9: {  	[smem:$0x3FAE] =	sst s1  }
0xa: {  	[smem:$0x3FAF] =	sst s2  }
0xb: {  	[smem:$0x3FB0] =	sst s3  }
0xc: {  	[smem:$0x3FB1] =	sst s4  }
0xd: {  	[smem:$0x3FB2] =	sst s5  }
0xe: {  	[smem:$0x3FB3] =	sst s6  }
0xf: {  	[smem:$0x3FB4] =	sst s7  }
0x10: {  	[smem:$0x3FB5] =	sst s8  }
0x11: {  	[smem:$0x3FB6] =	sst s9;
	s0 =	simm.s32 @!p0 $0x0  }
0x12: {  	s1 =	sld [smem:$0x3F9C];
	s0 =	simm.s32 @p0 $0x1  }
0x13: {  	[smem:$0x3FB7] =	sst s0;
	s0 =	simm.s32 @!p1 $0x0  }
0x14: {  	s2 =	sld [smem:$0x3F9B];
	s0 =	simm.s32 @p1 $0x1  }
0x15: {  	[smem:$0x3FB8] =	sst s0;
	s0 =	simm.s32 @!p2 $0x0  }
0x16: {  	s3 =	sld [smem:$0x3FDB];
	s0 =	simm.s32 @p2 $0x1  }
0x17: {  	s4 =	simm.s32 $0x1BF5;
	[smem:$0x3FBA] =	sst s0  }
0x18: {  	s0 =	sld [smem:$0x3F9D];
	_ =	swait.ge [sflag:s4], $0x0  }
0x19: {  	s7 =	sld [smem:$0x3F9E]  }
0x1a: {  	s8 =	sadd.s32 $0xFFFFE003, lr  }
0x1b: {  	s9 =	sadd.s32 $0xFFFFFEF7, lr;
	s5 =	simm.s32 $0xFFFFFFFF;
	p2 =	slt.u32 s8, $0xFFFFF086  }
0x1c: {  	p1 =	slt.u32 s9, $0xF7A;
	s5 =	simm.s32 @!p2 $0x0  }
0x1d: {  	s5 =	simm.s32 @p1 $0x1;
	p0 =	seq.s32 s7, s2  }
0x1e: {  	s7 =	smul.u32 @!p0 $0xF7A, s2;
	p2 =	seq.s32 @!p0 s5, $0x0  }
0x1f: {  	s9 =	smul.u32 $0xF7A, s1;
	s8 =	simm.s32 @!p0 $0x1BF5;
	p2 =	por !p2, p0  }
0x20: {  	[sflag:s8] =	ssyncset.s32 @!p0 $0xFFFFF086;
	s6 =	sadd.s32 @!p0 s3, s7;
	s7 =	simm.s32 @!p0 $0x108  }
0x21: {  	s3 =	sadd.s32 s3, s9;
	s6 =	sadd.s32 @!p0 $0x88, s6;
	s7 =	simm.s32 @p2 $0x1082  }
0x22: {  	[simem:s7], [sflag:s8] =	dma.local @!p0 [hbm:s6], $0xF7A  }
0x23: {  	s9 =	sor.u32 $0xD0000000, s2;
	s6 =	simm.s32 $0x108;
	_ =	swait.ge @!p0 [sflag:s8], $0x0  }
0x24: {  	s3 =	sadd.s32 $0x88, s3;
	s6 =	simm.s32 @!p1 $0x1082;
	[sflag:s4] =	ssyncset.s32 $0xFFFFF086  }
0x25: {  	[simem:s6], [sflag:s4] =	dma.local [hbm:s3], $0xF7A  }
0x26: {  	[smem:$0x3F9E] =	sst s1;
	(tag) =	ssettag s2;
	_ =	strace s9  }
0x27: {  	s1 =	sld [smem:$0x3FAE]  }
0x28: {  	s2 =	sld [smem:$0x3FAF]  }
0x29: {  	s4 =	sld [smem:$0x3FB1]  }
0x2a: {  	p0 =	seq.s32 s5, $0x0;
	s5 =	sld [smem:$0x3FB2]  }
0x2b: {  	s6 =	sld [smem:$0x3FB3]  }
0x2c: {  	s7 =	sld [smem:$0x3FB4]  }
0x2d: {  	s3 =	simm.s32 $0x108;
	s8 =	sld [smem:$0x3FB5]  }
0x2e: {  	s3 =	simm.s32 @!p0 $0x1082;
	s9 =	sld [smem:$0x3FB6]  }
0x2f: {  	lr =	sadd.s32 s0, s3;
	s0 =	sld [smem:$0x3FAD]  }
0x30: {  	s3 =	sld [smem:$0x3FB0]  }
0x31: {  	[smem:$0x3FB9] =	sst s10  }
0x32: {  	s10 =	sld [smem:$0x3FB7];
	_ =	sdelay $0x3  }
0x33: {  	p0 =	seq.s32 s10, $0x1;
	s10 =	sld [smem:$0x3FB9];
	_ =	sdelay $0x3  }
0x34: {  	[smem:$0x3FB9] =	sst s10  }
0x35: {  	s10 =	sld [smem:$0x3FB8];
	_ =	sdelay $0x3  }
0x36: {  	p1 =	seq.s32 s10, $0x1;
	s10 =	sld [smem:$0x3FB9];
	_ =	sdelay $0x3  }
0x37: {  	[smem:$0x3FB9] =	sst s10  }
0x38: {  	s10 =	sld [smem:$0x3FBA]  }
0x39: {  	_ = 	snop;
	(pc) =	sbr.ind lr, $3  }
0x3a: {  	_ = 	snop  }
0x3b: {  	_ = 	snop  }
0x3c: {  	p2 =	seq.s32 s10, $0x1;
	s10 =	sld [smem:$0x3FB9]  }
0x3d: {  	_ =	shalt  }
0x3e: {  	_ =	shalt  }
0x3f: {  	_ =	shalt  }
0x40: {  	_ =	shalt  }
0x41: {  	_ =	shalt  }
0x42: {  	_ =	shalt  }
0x43: {  	_ =	shalt  }
0x44: {  	_ =	shalt  }
0x45: {  	_ =	shalt  }
0x46: {  	_ =	shalt  }
0x47: {  	_ =	shalt  }
0x48: {  	_ =	shalt  }
0x49: {  	_ =	shalt  }
0x4a: {  	_ =	shalt  }
0x4b: {  	_ =	shalt  }
0x4c: {  	_ =	shalt  }
0x4d: {  	_ =	shalt  }
0x4e: {  	_ =	shalt  }
0x4f: {  	_ =	shalt  }
0x50: {  	_ =	shalt  }
0x51: {  	_ =	shalt  }
0x52: {  	_ =	shalt  }
0x53: {  	_ =	shalt  }
0x54: {  	_ =	shalt  }
0x55: {  	_ =	shalt  }
0x56: {  	_ =	shalt  }
0x57: {  	_ =	shalt  }
0x58: {  	_ =	shalt  }
0x59: {  	_ =	shalt  }
0x5a: {  	_ =	shalt  }
0x5b: {  	_ =	shalt  }
0x5c: {  	_ =	shalt  }
0x5d: {  	_ =	shalt  }
0x5e: {  	_ =	shalt  }
0x5f: {  	_ =	shalt  }
0x60: {  	_ =	shalt  }
0x61: {  	_ =	shalt  }
0x62: {  	_ =	shalt  }
0x63: {  	_ =	shalt  }
0x64: {  	_ =	shalt  }
0x65: {  	_ =	shalt  }
0x66: {  	_ =	shalt  }
0x67: {  	_ =	shalt  }
0x68: {  	_ =	shalt  }
0x69: {  	_ =	shalt  }
0x6a: {  	_ =	shalt  }
0x6b: {  	_ =	shalt  }
0x6c: {  	_ =	shalt  }
0x6d: {  	_ =	shalt  }
0x6e: {  	_ =	shalt  }
0x6f: {  	_ =	shalt  }
0x70: {  	_ =	shalt  }
0x71: {  	_ =	shalt  }
0x72: {  	_ =	shalt  }
0x73: {  	_ =	shalt  }
0x74: {  	_ =	shalt  }
0x75: {  	_ =	shalt  }
0x76: {  	_ =	shalt  }
0x77: {  	_ =	shalt  }
0x78: {  	_ =	shalt  }
0x79: {  	_ =	shalt  }
0x7a: {  	_ =	shalt  }
0x7b: {  	_ =	shalt  }
0x7c: {  	_ =	shalt  }
0x7d: {  	_ =	shalt  }
0x7e: {  	_ =	shalt  }
0x7f: {  	_ =	shalt  }
0x80: {  	_ =	shalt  }
0x81: {  	_ =	shalt  }
0x82: {  	_ =	shalt  }
0x83: {  	_ =	shalt  }
0x84: {  	_ =	shalt  }
0x85: {  	_ =	shalt  }
0x86: {  	_ =	shalt  }
0x87: {  	_ =	shalt  }
.Lfunc_end0:
.L_simem_size_0:
called_computation_lowered:
.L_overlay_start_0:
0x88: {  	s2 =	sld [smem:$0x3FD9]  }
0x89: {  	s3 =	sld [smem:$0x3FFE];
	_ =	sdelay $0x1  }
0x8a: {  	s1 =	srdreg.scid  }
0x8b: {  	s0 =	sand.u32 $0x1, s1  }
0x8c: {  	s16 =	sshll.u32 s0, $0xA;
	s2 =	sadd.s32 s3, s2  }
0x8d: {  	s2 =	sadd.s32 s2, s16  }
0x8e: {  	[smem:$0x3FC5] =	sst s2  }
0x8f: {  	_ = 	snop  }
0x90: {  	(tm) =	ssettm $0x1  }
0x91: {  	s17 =	sld [smem:$0x3FFB];
	_ =	sdelay $0x3  }
0x92: {  	_ =	strace s17  }
0x93: {  	s2 =	sld [smem:$0x3FFC];
	_ =	sdelay $0x3  }
0x94: {  	_ =	strace s2  }
0x95: {  	s2 =	sld [smem:$0x3FFD];
	_ =	sdelay $0x3  }
0x96: {  	_ =	strace s2  }
0x97: {  	_ =	strace $0x8FFFFFFF  }
0x98: {  	s18 =	sld [smem:$0x3FDB];
	_ =	sdelay $0x1  }
0x99: {  	s19 =	simm.s32 $_scs_section_size  }
0x9a: {  	s4 =	simm.s32 $_size__tile_overlayer_lowered;
	s5 =	simm.s32 $_tile_overlayer_lowered  }
0x9b: {  	s22 =	simm.s32 $0x1BFF;
	s21 =	sshll.u32 s5, $0x1;
	s2 =	sadd.s32 s19, s18  }
0x9c: {  	s6 =	simm.s32 $0x0;
	s20 =	sshll.u32 s4, $0x1;
	s4 =	sadd.s32 s21, s2  }
0x9d: {  	[timem:s6], [sflag:s22] =	dma.local [hbm:s4], s20  }
0x9e: {  	_ =	swait.ge [sflag:s22], s20  }
0x9f: {  	s3 =	ssub.s32 $0x0, s20;
	[sflag:s22] =	ssyncset.done $0x0  }
0xa0: {  	[sflag:s22] =	ssyncadd.s32 s3;
	_ =	sdelay $0x1  }
0xa1: {  	s23 =	simm.s32 $0x1B8B  }
0xa2: {  	_ =	swait.ge [sflag:s23], $0x1  }
0xa3: {  	[sflag:s23] =	ssyncset.done $0x0  }
0xa4: {  	s25 =	simm.s32 $0x1B8E;
	s24 =	sld [smem:$0x3FFE];
	[sflag:s23] =	ssyncadd.s32 $0xFFFFFFFF  }
0xa5: {  	s26 =	simm.s32 $execute0_lowered;
	[smem:$0x3FD2] =	sst s25  }
0xa6: {  	s4 =	sshll.u32 s26, $0x1;
	_ =	strace $0x80000046;
	[dreg:$0x1] =	wrdreg $0xFFFFFFFF  }
0xa7: {  	s28 =	simm.s32 $_size_execute0_lowered;
	s2 =	sadd.s32 s2, s4;
	[dreg:$0x0] =	wrdreg $0x0  }
0xa8: {  	s4 =	sshll.u32 s28, $0x1;
	[dreg:$0x2] =	wrdreg s2  }
0xa9: {  	[dreg:$0x3] =	wrdreg s4  }
0xaa: {  	[dreg:$0x4] =	wrdreg $0xC0  }
0xab: {  	_ =	task [dreg:s6], $0x5FFFF  }
0xac: {  	[dreg:$0x1] =	wrdreg $0xFFFFFFFF  }
0xad: {  	[dreg:$0x0] =	wrdreg $0x60  }
0xae: {  	[dreg:$0x2] =	wrdreg s24  }
0xaf: {  	[dreg:$0x3] =	wrdreg $0x9  }
0xb0: {  	_ =	task.clear_ibuf [dreg:s6], $0x4FFFF;
	_ =	strace $0x90000046  }
0xb1: {  	s29 =	simm.s32 $0x9;
	_ =	strace $0x80000048  }
0xb2: {  	_ =	swait.ge [sflag:s29], $0x1  }
0xb3: {  	[sflag:s29] =	ssyncadd.s32 $0xFFFFFFFF  }
0xb4: {  	_ =	strace $0x90000048  }
0xb5: {  	_ =	sfence  }
0xb6: {  	s30 =	sld [smem:$0x0];
	_ =	sdelay $0x2  }
0xb7: {  	s31 =	sshll.u32 s1, $0xD;
	s1 =	sshrl.u32 s1, $0x2  }
0xb8: {  	s3 =	sand.u32 $0x4000, s31;
	s1 =	sadd.s32 s1, s30  }
0xb9: {  	s0 =	sor.u32 s3, s0;
	s1 =	sshll.u32 s1, $0x11  }
0xba: {  	s0 =	sor.u32 s1, s0  }
0xbb: {  	s0 =	sadd.s32 $0x8F2B, s0  }
0xbc: {  	[sflag:s0] =	ssyncadd.remote.s32 $0x1  }
0xbd: {  	_ =	sfence.sel $0xFFFF  }
0xbe: {  	[dreg:$0x0] =	wrdreg $0xFFFFFFFF;
	(pc) =	sbr.abs _section_cstart, $3  }
0xbf: {  	[dreg:$0x1] =	wrdreg $0xFFFFFFFF  }
0xc0: {  	_ =	task.clear_ibuf [dreg:s6], $0x2FFFF;
	_ =	strace $0x9FFFFFFF  }
0xc1: {  	(tm) =	ssettm $0x7FFFFFFF  }
tec
execute0_lowered:
.L_overlay_start_1:
0x0: {  	(tag) =	ssettag $0x1  }
0x1: {  	s1 =	srdreg.scid;
	s0 =	stileid.u32  }
0x2: {  	s8 =	rddreg [dreg:$0x0];
	s6 =	sand.u32 $0x1, s1;
	s30 =	sshll.u32 s0, $0x1  }
0x3: {  	s2 =	simm.s32 $0x0;
	s1 =	rddreg [dreg:$0x1];
	s7 =	sor.u32 s6, s30  }
0x4: {  	[smem:$0x7FF] =	sst s2;
	s3 =	smul.u32 $0x30, s7  }
0x5: {  	s5 =	sadd.s32 $0x600, s8;
	_ =	strace $0x80000047;
	s10 =	ssub.s32 $0x2, s6  }
0x6: {  	s6 =	simm.s32 $0x180;
	s4 =	sadd.s32 s8, s3;
	s3 =	simm.s32 $0x2  }
0x7: {  	[tilespmem:s2], [sflag:$0x2] =	stream.linear.gather [hbm4b:s4+s2], $0x180, $0x38;
	[tilespmem:$0xC180] =	vst v63  }
0x8: {  	s9 =	smul.u32 $0x1800, s7;
	s11 =	sshrl.u32 s10, $0x1;
	_ =	swait.ge [sflag:s3], $0x180  }
0x9: {  	s7 =	simm.s32 $0x1;
	s31 =	ssub.s32 s10, s11;
	[sflag:s3] =	ssyncset.done $0x0  }
0xa: {  	s8 =	sadd.s32 s9, s8;
	s9 =	smax.u32 s31, $0x1;
	[sflag:s3] =	ssyncadd.s32 $0xFFFFFE80  }
0xb: {  	[tilespmem:s6], [sflag:$0x1] =	stream.indirect.gather [hbm4b:s5+s6], $0x80, s2, s6, $0xb8;
	[tilespmem:$0xC180] =	vst v63  }
0xc: {  	p0 =	sne.s32 s9, $0x1;
	_ =	swait.ge [sflag:s7], $0xC000  }
.Ltmp0:
0xd: {  	[sflag:s7] =	ssyncset.done $0x0;
	(pc) =	sbr.rel @!p0 .LBB2_2-.Ltmp0, $4  }
0xe: {  	s8 =	sadd.s32 $0x8600, s8;
	[sflag:s7] =	ssyncadd.s32 $0xFFFF4000  }
0xf: {  	[hbm4b:s8+s2] =	stream.linear.scatter [tilespmem:s6], [sflag:$0x2], $0xC000, $0x38;
	[tilespmem:$0xC180] =	vst v63  }
0x10: {  	_ =	swait.ge [sflag:s3], $0xC000  }
0x11: {  	s9 =	sadd.s32 $0xFFFFFFFF, s9;
	[sflag:s3] =	ssyncset.done $0x0  }
.LBB2_1:
0x12: {  	p0 =	sne.s32 s9, $0x1;
	s9 =	sadd.s32 $0xFFFFFFFF, s9;
	[sflag:s3] =	ssyncadd.s32 $0xFFFF4000  }
0x13: {  	[tilespmem:s2], [sflag:$0x2] =	stream.linear.gather [hbm4b:s4+s2], $0x180, $0x38;
	[tilespmem:$0xC180] =	vst v63  }
0x14: {  	_ =	swait.ge [sflag:s3], $0x180  }
0x15: {  	[sflag:s3] =	ssyncset.done $0x0  }
0x16: {  	[sflag:s3] =	ssyncadd.s32 $0xFFFFFE80  }
0x17: {  	[tilespmem:s6], [sflag:$0x1] =	stream.indirect.gather [hbm4b:s5+s6], $0x80, s2, s6, $0xb8;
	[tilespmem:$0xC180] =	vst v63  }
0x18: {  	_ =	swait.ge [sflag:s7], $0xC000  }
.Ltmp1:
0x19: {  	[sflag:s7] =	ssyncset.done $0x0;
	(pc) =	sbr.rel @p0 .LBB2_1-.Ltmp1, $4  }
0x1a: {  	[sflag:s7] =	ssyncadd.s32 $0xFFFF4000  }
0x1b: {  	[hbm4b:s8+s2] =	stream.linear.scatter [tilespmem:s6], [sflag:$0x2], $0xC000, $0x38;
	[tilespmem:$0xC180] =	vst v63  }
0x1c: {  	_ =	swait.ge [sflag:s3], $0xC000  }
0x1d: {  	[sflag:s3] =	ssyncset.done $0x0  }
.LBB2_2:
0x1e: {  	[sflag:s3] =	ssyncadd.s32 $0xFFFF4000  }
0x1f: {  	_ =	sfence.sel $0x180000  }
0x20: {  	[bflag:$0x0] =	sbarrier.arrive $0xFFFF  }
0x21: {  	p0 =	sne.s32 s0, $0x0;
	_ =	strace $0x90000047  }
0x22: {  	s0 =	sadd.s32 @!p0 $0x100000, s1;
	[bflag:$0x2] =	sbarrier.arrive $0xFFFF  }
0x23: {  	[sflag:s0] =	ssyncadd.tile.s32 @!p0 $0x1;
	_ =	shalt  }
.Lfunc_end2:
_tile_overlayer_lowered:
.L_overlay_start_2:
0x24: {  	(tag) =	ssettag $0x2  }
0x25: {  	s0 =	rddreg [dreg:$0x0];
	s2 =	stileid.u32  }
0x26: {  	s1 =	rddreg [dreg:$0x1];
	p0 =	sne.s32 s2, $0x0  }
0x27: {  	s3 =	rddreg [dreg:$0x2];
	[bflag:$0x3] =	sbarrier.arrive $0xFFFF;
	s2 =	simm.s32 @!p0 $0x1C02  }
0x28: {  	[timem:s3], [sflag:s2] =	dma.local @!p0 [hbm:s0], s1  }
0x29: {  	s0 =	simm.s32 @!p0 $0x2  }
0x2a: {  	_ =	swait.ge @!p0 [sflag:s0], s1  }
0x2b: {  	s1 =	ssub.s32 @!p0 $0x0, s1;
	[sflag:s0] =	ssyncset.done @!p0 $0x0  }
0x2c: {  	[sflag:s0] =	ssyncadd.s32 @!p0 s1  }
0x2d: {  	[bflag:$0x3] =	sbarrier.arrive $0xFFFF  }
0x2e: {  	_ =	shalt  }

</sc_bundles>
